<compile_context>
chip_gen: v7x
topology: tpu7x:2x2x1
jax: 0.10.2.dev20260603
libtpu: 0.0.44.dev20260713+nightly
codegen_flags: <defaults>
</compile_context>

<pallas_src>
import jax
import jax.numpy as jnp
from jax.experimental import pallas as pl

N_HIDDEN = 256
N_MPC = 10
N_CLASS = 100
N_CLASS_PAD = 128
N_MOTIF = N_MPC * N_CLASS
WIDTH = N_MPC * N_CLASS_PAD
N_PAD_CLASSES = N_CLASS_PAD - N_CLASS
TEMP = 0.2
EPS = 1e-4
PAD_VAL = 512.0

BLK = 512


def _motif_loss_kernel(z_ref, y_ref, mt_ref, out_ref):
    i = pl.program_id(0)
    z = z_ref[...]
    mt = mt_ref[...]
    y = y_ref[...]

    zsq1 = jnp.sum(z * z, axis=1, keepdims=True) + 1.0
    msq = 0.25 * jnp.sum(mt * mt, axis=0, keepdims=True)
    xp2 = jnp.dot(z.astype(jnp.bfloat16), mt.astype(jnp.bfloat16),
                  preferred_element_type=jnp.float32)

    a = (zsq1 + msq) + xp2
    t = a - (1.0 - EPS)
    r = a / t
    r2 = r * r
    s = r2 * r2 * r

    cs = s[:, 0:N_CLASS_PAD]
    cm = cs
    for k in range(1, N_MPC):
        chunk = s[:, k * N_CLASS_PAD:(k + 1) * N_CLASS_PAD]
        cs = cs + chunk
        cm = jnp.maximum(cm, chunk)

    cls = jax.lax.broadcasted_iota(jnp.int32, (BLK, N_CLASS_PAD), 1)
    eq = cls == y

    pos_sum = jnp.sum(jnp.where(eq, cs, 0.0), axis=1, keepdims=True)
    pos_max = jnp.max(jnp.where(eq, cm, -jnp.inf), axis=1, keepdims=True)
    total = jnp.sum(cs, axis=1, keepdims=True) - float(N_PAD_CLASSES * N_MPC)
    neg = total - pos_sum

    terms = jnp.log(pos_max) - jnp.log(neg + pos_max)
    acc = jnp.sum(terms, keepdims=True).reshape(1, 1)

    @pl.when(i == 0)
    def _init():
        out_ref[...] = jnp.zeros((1, 1), jnp.float32)

    out_ref[...] += acc


@jax.jit
def kernel(z, y, Motif_Vector):
    b = z.shape[0]

    cols = jnp.arange(WIDTH)
    k = cols // N_CLASS_PAD
    c = cols % N_CLASS_PAD
    midx = jnp.where(c < N_CLASS, c * N_MPC + k, 0)
    gathered = Motif_Vector.T[:, midx]
    mt = -2.0 * jnp.where(c[None, :] < N_CLASS, gathered, PAD_VAL)

    y2 = y.astype(jnp.int32).reshape(b, 1)

    grid = b // BLK
    total = pl.pallas_call(
        _motif_loss_kernel,
        grid=(grid,),
        in_specs=[
            pl.BlockSpec((BLK, N_HIDDEN), lambda i: (i, 0)),
            pl.BlockSpec((BLK, 1), lambda i: (i, 0)),
            pl.BlockSpec((N_HIDDEN, WIDTH), lambda i: (0, 0)),
        ],
        out_specs=pl.BlockSpec((1, 1), lambda i: (0, 0)),
        out_shape=jax.ShapeDtypeStruct((1, 1), jnp.float32),
    )(z, y2, mt)

    return -total[0, 0] / b

# --- scband reference (transcript-rebuilt; emitter-appended) ---
"""Pipeline reference for scband-motif-vector-62629213110678 (READ-ONLY COPY).

The authoritative reference and input builder live on the scoring server;
editing this copy changes nothing except your own understanding.
"""

import jax, jax.numpy as jnp
import numpy as np

N_HIDDEN = 256
N_MPC = 10
N_CLASS = 100
N_MOTIF = N_MPC * N_CLASS
TEMP = 0.2
EPS = 1e-4
B = 16384


def setup_inputs(seed: int = 0) -> dict:
    key = jax.random.key(seed)
    k1, k2, k3 = jax.random.split(key, 3)
    z = jax.random.normal(k1, (B, N_HIDDEN), dtype=jnp.float32)
    y = jax.random.randint(k2, (B,), 0, N_CLASS, dtype=jnp.int32)
    Motif_Vector = jax.random.normal(k3, (N_MOTIF, N_HIDDEN), dtype=jnp.float32)
    return {"z": z, "y": y, "Motif_Vector": Motif_Vector}


def reference(z, y, Motif_Vector):
    # euclidean_1 similarity (faithful to MotifVector.euclidean_1)
    xp = z @ Motif_Vector.T
    distance = -2.0 * xp + jnp.sum(z ** 2, axis=1, keepdims=True) + jnp.sum(Motif_Vector ** 2, axis=1, keepdims=True).T
    similarity = jnp.log((distance + 1.0) / (distance + EPS))
    # loss_contrastive (the effective forward computation)
    sims = jnp.exp(similarity / TEMP)
    motif_class = jnp.arange(N_MOTIF, dtype=jnp.int32) // N_MPC  # class of each motif
    pos_mask = motif_class[None, :] == y[:, None]  # [B, N_MOTIF] == torch true_motifs
    # positives: per-sample max over its n_motif_per_class motifs
    sim_pos = jnp.max(jnp.where(pos_mask, sims, -jnp.inf), axis=1)
    # negatives: sum over the remaining (n_class-1)*n_motif_per_class motifs
    sim_neg_sum = jnp.sum(jnp.where(pos_mask, 0.0, sims), axis=1)
    loss = -jnp.mean(jnp.log(sim_pos / (sim_neg_sum + sim_pos)))
    return loss

if __name__ == "__main__":
    import jax
    _d = setup_inputs()
    print(jax.jit(kernel)(*tuple(_d.values())))

</pallas_src>

<mosaic_0001>
module attributes {stable_mosaic.version = 14 : i64} {
  func.func @_motif_loss_kernel(%arg0: i32, %arg1: memref<512x256xf32, #tpu.memory_space<vmem>>, %arg2: memref<512x1xi32, #tpu.memory_space<vmem>>, %arg3: memref<256x1280xf32, #tpu.memory_space<vmem>>, %arg4: memref<1x1xf32, #tpu.memory_space<vmem>>) attributes {dimension_semantics = [#tpu.dimension_semantics<arbitrary>], iteration_bounds = array<i64: 32>, scalar_prefetch = 0 : i64, scratch_operands = 0 : i64, tpu.core_type = #tpu.core_type<tc>, window_params = [{transform_indices = @transform_0, window_bounds = array<i64: 512, 256>}, {transform_indices = @transform_1, window_bounds = array<i64: 512, 1>}, {pipeline_mode = #tpu.pipeline_mode<synchronous>, transform_indices = @transform_2, window_bounds = array<i64: 256, 1280>}, {pipeline_mode = #tpu.pipeline_mode<synchronous>, transform_indices = @transform_3, window_bounds = array<i64: 1, 1>}]} {
    %get3A = arith.constant 0 : index
    %get3A_0 = arith.constant 0 : index
    %get3A_1 = vector.load %arg1[%get3A, %get3A_0] : memref<512x256xf32, #tpu.memory_space<vmem>>, vector<512x256xf32>
    %get3A_2 = arith.constant 0 : index
    %get3A_3 = arith.constant 0 : index
    %get3A_4 = vector.load %arg3[%get3A_2, %get3A_3] : memref<256x1280xf32, #tpu.memory_space<vmem>>, vector<256x1280xf32>
    %get3A_5 = arith.constant 0 : index
    %get3A_6 = arith.constant 0 : index
    %get3A_7 = vector.load %arg2[%get3A_5, %get3A_6] : memref<512x1xi32, #tpu.memory_space<vmem>>, vector<512x1xi32>
    %mul3A = arith.mulf %get3A_1, %get3A_1 : vector<512x256xf32>
    %reduce_sum3A = arith.constant dense<0.000000e+00> : vector<512xf32>
    %reduce_sum3A_8 = vector.multi_reduction <add>, %mul3A, %reduce_sum3A [1] : vector<512x256xf32> to vector<512xf32>
    %broadcast_in_dim3A = vector.shape_cast %reduce_sum3A_8 : vector<512xf32> to vector<512x1xf32>
    %add3A = arith.constant 1.000000e+00 : f32
    %add3A_9 = vector.broadcast %add3A : f32 to vector<512x1xf32>
    %add3A_10 = arith.addf %broadcast_in_dim3A, %add3A_9 : vector<512x1xf32>
    %mul3A_11 = arith.mulf %get3A_4, %get3A_4 : vector<256x1280xf32>
    %reduce_sum3A_12 = arith.constant dense<0.000000e+00> : vector<1280xf32>
    %reduce_sum3A_13 = vector.multi_reduction <add>, %mul3A_11, %reduce_sum3A_12 [0] : vector<256x1280xf32> to vector<1280xf32>
    %broadcast_in_dim3A_14 = vector.shape_cast %reduce_sum3A_13 : vector<1280xf32> to vector<1x1280xf32>
    %mul3A_15 = arith.constant 2.500000e-01 : f32
    %mul3A_16 = vector.broadcast %mul3A_15 : f32 to vector<1x1280xf32>
    %mul3A_17 = arith.mulf %mul3A_16, %broadcast_in_dim3A_14 : vector<1x1280xf32>
    %convert_element_type3A = arith.truncf %get3A_1 : vector<512x256xf32> to vector<512x256xbf16>
    %convert_element_type3A_18 = arith.truncf %get3A_4 : vector<256x1280xf32> to vector<256x1280xbf16>
    %dot_general3A = arith.constant dense<0.000000e+00> : vector<512x1280xf32>
    %dot_general3A_19 = tpu.matmul %convert_element_type3A, %convert_element_type3A_18, %dot_general3A {dimension_numbers = #tpu.dot_dimension_numbers<[1], [0], [0], [1], [0, 0, 1, 1], [], []>, transpose_lhs_hint = false} : vector<512x256xbf16>, vector<256x1280xbf16>, vector<512x1280xf32> -> vector<512x1280xf32>
    %add3A_20 = vector.broadcast %add3A_10 : vector<512x1xf32> to vector<512x1280xf32>
    %add3A_21 = vector.broadcast %mul3A_17 : vector<1x1280xf32> to vector<512x1280xf32>
    %add3A_22 = arith.addf %add3A_20, %add3A_21 : vector<512x1280xf32>
    %add3A_23 = arith.addf %add3A_22, %dot_general3A_19 : vector<512x1280xf32>
    %sub3A = arith.constant 0.999899983 : f32
    %sub3A_24 = vector.broadcast %sub3A : f32 to vector<512x1280xf32>
    %sub3A_25 = arith.subf %add3A_23, %sub3A_24 : vector<512x1280xf32>
    %div3A = arith.divf %add3A_23, %sub3A_25 : vector<512x1280xf32>
    %mul3A_26 = arith.mulf %div3A, %div3A : vector<512x1280xf32>
    %mul3A_27 = arith.mulf %mul3A_26, %mul3A_26 : vector<512x1280xf32>
    %mul3A_28 = arith.mulf %mul3A_27, %div3A : vector<512x1280xf32>
    %slice3A = vector.extract_strided_slice %mul3A_28 {offsets = [0, 0], sizes = [512, 128], strides = [1, 1]} : vector<512x1280xf32> to vector<512x128xf32>
    %slice3A_29 = vector.extract_strided_slice %mul3A_28 {offsets = [0, 128], sizes = [512, 128], strides = [1, 1]} : vector<512x1280xf32> to vector<512x128xf32>
    %add3A_30 = arith.addf %slice3A, %slice3A_29 : vector<512x128xf32>
    %max3A = arith.maximumf %slice3A, %slice3A_29 : vector<512x128xf32>
    %slice3A_31 = vector.extract_strided_slice %mul3A_28 {offsets = [0, 256], sizes = [512, 128], strides = [1, 1]} : vector<512x1280xf32> to vector<512x128xf32>
    %add3A_32 = arith.addf %add3A_30, %slice3A_31 : vector<512x128xf32>
    %max3A_33 = arith.maximumf %max3A, %slice3A_31 : vector<512x128xf32>
    %slice3A_34 = vector.extract_strided_slice %mul3A_28 {offsets = [0, 384], sizes = [512, 128], strides = [1, 1]} : vector<512x1280xf32> to vector<512x128xf32>
    %add3A_35 = arith.addf %add3A_32, %slice3A_34 : vector<512x128xf32>
    %max3A_36 = arith.maximumf %max3A_33, %slice3A_34 : vector<512x128xf32>
    %slice3A_37 = vector.extract_strided_slice %mul3A_28 {offsets = [0, 512], sizes = [512, 128], strides = [1, 1]} : vector<512x1280xf32> to vector<512x128xf32>
    %add3A_38 = arith.addf %add3A_35, %slice3A_37 : vector<512x128xf32>
    %max3A_39 = arith.maximumf %max3A_36, %slice3A_37 : vector<512x128xf32>
    %slice3A_40 = vector.extract_strided_slice %mul3A_28 {offsets = [0, 640], sizes = [512, 128], strides = [1, 1]} : vector<512x1280xf32> to vector<512x128xf32>
    %add3A_41 = arith.addf %add3A_38, %slice3A_40 : vector<512x128xf32>
    %max3A_42 = arith.maximumf %max3A_39, %slice3A_40 : vector<512x128xf32>
    %slice3A_43 = vector.extract_strided_slice %mul3A_28 {offsets = [0, 768], sizes = [512, 128], strides = [1, 1]} : vector<512x1280xf32> to vector<512x128xf32>
    %add3A_44 = arith.addf %add3A_41, %slice3A_43 : vector<512x128xf32>
    %max3A_45 = arith.maximumf %max3A_42, %slice3A_43 : vector<512x128xf32>
    %slice3A_46 = vector.extract_strided_slice %mul3A_28 {offsets = [0, 896], sizes = [512, 128], strides = [1, 1]} : vector<512x1280xf32> to vector<512x128xf32>
    %add3A_47 = arith.addf %add3A_44, %slice3A_46 : vector<512x128xf32>
    %max3A_48 = arith.maximumf %max3A_45, %slice3A_46 : vector<512x128xf32>
    %slice3A_49 = vector.extract_strided_slice %mul3A_28 {offsets = [0, 1024], sizes = [512, 128], strides = [1, 1]} : vector<512x1280xf32> to vector<512x128xf32>
    %add3A_50 = arith.addf %add3A_47, %slice3A_49 : vector<512x128xf32>
    %max3A_51 = arith.maximumf %max3A_48, %slice3A_49 : vector<512x128xf32>
    %slice3A_52 = vector.extract_strided_slice %mul3A_28 {offsets = [0, 1152], sizes = [512, 128], strides = [1, 1]} : vector<512x1280xf32> to vector<512x128xf32>
    %add3A_53 = arith.addf %add3A_50, %slice3A_52 : vector<512x128xf32>
    %max3A_54 = arith.maximumf %max3A_51, %slice3A_52 : vector<512x128xf32>
    %iota3A = tpu.iota {dimensions = array<i32: 1>} : vector<512x128xi32>
    %eq3A = vector.broadcast %get3A_7 : vector<512x1xi32> to vector<512x128xi32>
    %eq3A_55 = arith.cmpi eq, %iota3A, %eq3A : vector<512x128xi32>
    %jit3A = arith.constant 0.000000e+00 : f32
    %broadcast_in_dim3A_56 = vector.broadcast %jit3A : f32 to vector<512x128xf32>
    %select_n3A = arith.select %eq3A_55, %add3A_53, %broadcast_in_dim3A_56 : vector<512x128xi1>, vector<512x128xf32>
    %reduce_sum3A_57 = arith.constant dense<0.000000e+00> : vector<512xf32>
    %reduce_sum3A_58 = vector.multi_reduction <add>, %select_n3A, %reduce_sum3A_57 [1] : vector<512x128xf32> to vector<512xf32>
    %broadcast_in_dim3A_59 = vector.shape_cast %reduce_sum3A_58 : vector<512xf32> to vector<512x1xf32>
    %jit3A_60 = arith.constant 0xFF800000 : f32
    %broadcast_in_dim3A_61 = vector.broadcast %jit3A_60 : f32 to vector<512x128xf32>
    %select_n3A_62 = arith.select %eq3A_55, %max3A_54, %broadcast_in_dim3A_61 : vector<512x128xi1>, vector<512x128xf32>
    %reduce_max3A = arith.constant dense<0xFF800000> : vector<512xf32>
    %reduce_max3A_63 = vector.multi_reduction <maximumf>, %select_n3A_62, %reduce_max3A [1] : vector<512x128xf32> to vector<512xf32>
    %broadcast_in_dim3A_64 = vector.shape_cast %reduce_max3A_63 : vector<512xf32> to vector<512x1xf32>
    %reduce_sum3A_65 = arith.constant dense<0.000000e+00> : vector<512xf32>
    %reduce_sum3A_66 = vector.multi_reduction <add>, %add3A_53, %reduce_sum3A_65 [1] : vector<512x128xf32> to vector<512xf32>
    %broadcast_in_dim3A_67 = vector.shape_cast %reduce_sum3A_66 : vector<512xf32> to vector<512x1xf32>
    %sub3A_68 = arith.constant 2.800000e+02 : f32
    %sub3A_69 = vector.broadcast %sub3A_68 : f32 to vector<512x1xf32>
    %sub3A_70 = arith.subf %broadcast_in_dim3A_67, %sub3A_69 : vector<512x1xf32>
    %sub3A_71 = arith.subf %sub3A_70, %broadcast_in_dim3A_59 : vector<512x1xf32>
    %log3A = math.log %broadcast_in_dim3A_64 : vector<512x1xf32>
    %add3A_72 = arith.addf %sub3A_71, %broadcast_in_dim3A_64 : vector<512x1xf32>
    %log3A_73 = math.log %add3A_72 : vector<512x1xf32>
    %sub3A_74 = arith.subf %log3A, %log3A_73 : vector<512x1xf32>
    %reduce_sum3A_75 = vector.shape_cast %sub3A_74 : vector<512x1xf32> to vector<1x512x1xf32>
    %reduce_sum3A_76 = arith.constant dense<0.000000e+00> : vector<1xf32>
    %reduce_sum3A_77 = vector.multi_reduction <add>, %reduce_sum3A_75, %reduce_sum3A_76 [1, 2] : vector<1x512x1xf32> to vector<1xf32>
    %reduce_sum3A_78 = vector.shape_cast %reduce_sum3A_77 : vector<1xf32> to vector<1x1x1xf32>
    %reduce_sum3A_79 = vector.extract %reduce_sum3A_78[0, 0, 0] : f32 from vector<1x1x1xf32>
    %broadcast_in_dim3A_80 = vector.broadcast %reduce_sum3A_79 : f32 to vector<1x1xf32>
    %eq3A_81 = arith.constant 0 : i32
    %eq3A_82 = arith.cmpi eq, %arg0, %eq3A_81 : i32
    %convert_element_type3A_83 = arith.extui %eq3A_82 : i1 to i32
    %cond3A = arith.constant 0 : i32
    %cond3A_84 = arith.cmpi ne, %convert_element_type3A_83, %cond3A : i32
    scf.if %cond3A_84 {
      %broadcast_in_dim3A_91 = arith.constant 0.000000e+00 : f32
      %broadcast_in_dim3A_92 = vector.broadcast %broadcast_in_dim3A_91 : f32 to vector<1x1xf32>
      %swap3A_93 = arith.constant 0 : index
      %swap3A_94 = arith.constant 0 : index
      %swap3A_95 = vector.load %arg4[%swap3A_93, %swap3A_94] : memref<1x1xf32, #tpu.memory_space<vmem>>, vector<1x1xf32>
      tpu.vector_store %arg4[%swap3A_93, %swap3A_94], %broadcast_in_dim3A_92 {strides = array<i32>} : memref<1x1xf32, #tpu.memory_space<vmem>>, vector<1x1xf32>,
    } else {
    }
    %get3A_85 = arith.constant 0 : index
    %get3A_86 = arith.constant 0 : index
    %get3A_87 = vector.load %arg4[%get3A_85, %get3A_86] : memref<1x1xf32, #tpu.memory_space<vmem>>, vector<1x1xf32>
    %add3A_88 = arith.addf %get3A_87, %broadcast_in_dim3A_80 : vector<1x1xf32>
    %swap3A = arith.constant 0 : index
    %swap3A_89 = arith.constant 0 : index
    %swap3A_90 = vector.load %arg4[%swap3A, %swap3A_89] : memref<1x1xf32, #tpu.memory_space<vmem>>, vector<1x1xf32>
    tpu.vector_store %arg4[%swap3A, %swap3A_89], %add3A_88 {strides = array<i32>} : memref<1x1xf32, #tpu.memory_space<vmem>>, vector<1x1xf32>,
    return
  }
  func.func @transform_0(%arg0: i32) -> (i32, i32) {
    %c0_i32 = arith.constant 0 : i32
    %c0_i32_0 = arith.constant 0 : i32
    return %arg0, %c0_i32 : i32, i32
  }
  func.func @transform_1(%arg0: i32) -> (i32, i32) {
    %c0_i32 = arith.constant 0 : i32
    %c0_i32_0 = arith.constant 0 : i32
    return %arg0, %c0_i32 : i32, i32
  }
  func.func @transform_2(%arg0: i32) -> (i32, i32) {
    %c0_i32 = arith.constant 0 : i32
    %c0_i32_0 = arith.constant 0 : i32
    %c0_i32_1 = arith.constant 0 : i32
    return %c0_i32, %c0_i32_0 : i32, i32
  }
  func.func @transform_3(%arg0: i32) -> (i32, i32) {
    %c0_i32 = arith.constant 0 : i32
    %c0_i32_0 = arith.constant 0 : i32
    %c0_i32_1 = arith.constant 0 : i32
    return %c0_i32, %c0_i32_0 : i32, i32
  }
}

</mosaic_0001>

<sc_bundles>
// kernel: gather_offload_async_start
scs
__scs_entry_jumppad:
0x0: {  	(pc) =	sbr.rel $0x88, $3  }
0x1: {  	(tag) =	ssettag $0x0;
	lr =	simm.s32 $0x1  }
0x2: {  	[smem:$0x3F9E] =	sst lr;
	_ =	strace $0xD0000000  }
0x3: {  	_ = 	snop  }
0x4: {  	_ = 	snop  }
0x5: {  	_ = 	snop  }
0x6: {  	_ = 	snop  }
0x7: {  	_ = 	snop  }
__scs_overlays_trampoline_lowered:
0x8: {  	[smem:$0x3FAD] =	sst s0  }
0x9: {  	[smem:$0x3FAE] =	sst s1  }
0xa: {  	[smem:$0x3FAF] =	sst s2  }
0xb: {  	[smem:$0x3FB0] =	sst s3  }
0xc: {  	[smem:$0x3FB1] =	sst s4  }
0xd: {  	[smem:$0x3FB2] =	sst s5  }
0xe: {  	[smem:$0x3FB3] =	sst s6  }
0xf: {  	[smem:$0x3FB4] =	sst s7  }
0x10: {  	[smem:$0x3FB5] =	sst s8  }
0x11: {  	[smem:$0x3FB6] =	sst s9;
	s0 =	simm.s32 @!p0 $0x0  }
0x12: {  	s1 =	sld [smem:$0x3F9C];
	s0 =	simm.s32 @p0 $0x1  }
0x13: {  	[smem:$0x3FB7] =	sst s0;
	s0 =	simm.s32 @!p1 $0x0  }
0x14: {  	s2 =	sld [smem:$0x3F9B];
	s0 =	simm.s32 @p1 $0x1  }
0x15: {  	[smem:$0x3FB8] =	sst s0;
	s0 =	simm.s32 @!p2 $0x0  }
0x16: {  	s3 =	sld [smem:$0x3FDB];
	s0 =	simm.s32 @p2 $0x1  }
0x17: {  	s4 =	simm.s32 $0x1BF5;
	[smem:$0x3FBA] =	sst s0  }
0x18: {  	s0 =	sld [smem:$0x3F9D];
	_ =	swait.ge [sflag:s4], $0x0  }
0x19: {  	s7 =	sld [smem:$0x3F9E]  }
0x1a: {  	s8 =	sadd.s32 $0xFFFFE003, lr  }
0x1b: {  	s9 =	sadd.s32 $0xFFFFFEF7, lr;
	s5 =	simm.s32 $0xFFFFFFFF;
	p2 =	slt.u32 s8, $0xFFFFF086  }
0x1c: {  	p1 =	slt.u32 s9, $0xF7A;
	s5 =	simm.s32 @!p2 $0x0  }
0x1d: {  	s5 =	simm.s32 @p1 $0x1;
	p0 =	seq.s32 s7, s2  }
0x1e: {  	s7 =	smul.u32 @!p0 $0xF7A, s2;
	p2 =	seq.s32 @!p0 s5, $0x0  }
0x1f: {  	s9 =	smul.u32 $0xF7A, s1;
	s8 =	simm.s32 @!p0 $0x1BF5;
	p2 =	por !p2, p0  }
0x20: {  	[sflag:s8] =	ssyncset.s32 @!p0 $0xFFFFF086;
	s6 =	sadd.s32 @!p0 s3, s7;
	s7 =	simm.s32 @!p0 $0x108  }
0x21: {  	s3 =	sadd.s32 s3, s9;
	s6 =	sadd.s32 @!p0 $0x88, s6;
	s7 =	simm.s32 @p2 $0x1082  }
0x22: {  	[simem:s7], [sflag:s8] =	dma.local @!p0 [hbm:s6], $0xF7A  }
0x23: {  	s9 =	sor.u32 $0xD0000000, s2;
	s6 =	simm.s32 $0x108;
	_ =	swait.ge @!p0 [sflag:s8], $0x0  }
0x24: {  	s3 =	sadd.s32 $0x88, s3;
	s6 =	simm.s32 @!p1 $0x1082;
	[sflag:s4] =	ssyncset.s32 $0xFFFFF086  }
0x25: {  	[simem:s6], [sflag:s4] =	dma.local [hbm:s3], $0xF7A  }
0x26: {  	[smem:$0x3F9E] =	sst s1;
	(tag) =	ssettag s2;
	_ =	strace s9  }
0x27: {  	s1 =	sld [smem:$0x3FAE]  }
0x28: {  	s2 =	sld [smem:$0x3FAF]  }
0x29: {  	s4 =	sld [smem:$0x3FB1]  }
0x2a: {  	p0 =	seq.s32 s5, $0x0;
	s5 =	sld [smem:$0x3FB2]  }
0x2b: {  	s6 =	sld [smem:$0x3FB3]  }
0x2c: {  	s7 =	sld [smem:$0x3FB4]  }
0x2d: {  	s3 =	simm.s32 $0x108;
	s8 =	sld [smem:$0x3FB5]  }
0x2e: {  	s3 =	simm.s32 @!p0 $0x1082;
	s9 =	sld [smem:$0x3FB6]  }
0x2f: {  	lr =	sadd.s32 s0, s3;
	s0 =	sld [smem:$0x3FAD]  }
0x30: {  	s3 =	sld [smem:$0x3FB0]  }
0x31: {  	[smem:$0x3FB9] =	sst s10  }
0x32: {  	s10 =	sld [smem:$0x3FB7];
	_ =	sdelay $0x3  }
0x33: {  	p0 =	seq.s32 s10, $0x1;
	s10 =	sld [smem:$0x3FB9];
	_ =	sdelay $0x3  }
0x34: {  	[smem:$0x3FB9] =	sst s10  }
0x35: {  	s10 =	sld [smem:$0x3FB8];
	_ =	sdelay $0x3  }
0x36: {  	p1 =	seq.s32 s10, $0x1;
	s10 =	sld [smem:$0x3FB9];
	_ =	sdelay $0x3  }
0x37: {  	[smem:$0x3FB9] =	sst s10  }
0x38: {  	s10 =	sld [smem:$0x3FBA]  }
0x39: {  	_ = 	snop;
	(pc) =	sbr.ind lr, $3  }
0x3a: {  	_ = 	snop  }
0x3b: {  	_ = 	snop  }
0x3c: {  	p2 =	seq.s32 s10, $0x1;
	s10 =	sld [smem:$0x3FB9]  }
0x3d: {  	_ =	shalt  }
0x3e: {  	_ =	shalt  }
0x3f: {  	_ =	shalt  }
0x40: {  	_ =	shalt  }
0x41: {  	_ =	shalt  }
0x42: {  	_ =	shalt  }
0x43: {  	_ =	shalt  }
0x44: {  	_ =	shalt  }
0x45: {  	_ =	shalt  }
0x46: {  	_ =	shalt  }
0x47: {  	_ =	shalt  }
0x48: {  	_ =	shalt  }
0x49: {  	_ =	shalt  }
0x4a: {  	_ =	shalt  }
0x4b: {  	_ =	shalt  }
0x4c: {  	_ =	shalt  }
0x4d: {  	_ =	shalt  }
0x4e: {  	_ =	shalt  }
0x4f: {  	_ =	shalt  }
0x50: {  	_ =	shalt  }
0x51: {  	_ =	shalt  }
0x52: {  	_ =	shalt  }
0x53: {  	_ =	shalt  }
0x54: {  	_ =	shalt  }
0x55: {  	_ =	shalt  }
0x56: {  	_ =	shalt  }
0x57: {  	_ =	shalt  }
0x58: {  	_ =	shalt  }
0x59: {  	_ =	shalt  }
0x5a: {  	_ =	shalt  }
0x5b: {  	_ =	shalt  }
0x5c: {  	_ =	shalt  }
0x5d: {  	_ =	shalt  }
0x5e: {  	_ =	shalt  }
0x5f: {  	_ =	shalt  }
0x60: {  	_ =	shalt  }
0x61: {  	_ =	shalt  }
0x62: {  	_ =	shalt  }
0x63: {  	_ =	shalt  }
0x64: {  	_ =	shalt  }
0x65: {  	_ =	shalt  }
0x66: {  	_ =	shalt  }
0x67: {  	_ =	shalt  }
0x68: {  	_ =	shalt  }
0x69: {  	_ =	shalt  }
0x6a: {  	_ =	shalt  }
0x6b: {  	_ =	shalt  }
0x6c: {  	_ =	shalt  }
0x6d: {  	_ =	shalt  }
0x6e: {  	_ =	shalt  }
0x6f: {  	_ =	shalt  }
0x70: {  	_ =	shalt  }
0x71: {  	_ =	shalt  }
0x72: {  	_ =	shalt  }
0x73: {  	_ =	shalt  }
0x74: {  	_ =	shalt  }
0x75: {  	_ =	shalt  }
0x76: {  	_ =	shalt  }
0x77: {  	_ =	shalt  }
0x78: {  	_ =	shalt  }
0x79: {  	_ =	shalt  }
0x7a: {  	_ =	shalt  }
0x7b: {  	_ =	shalt  }
0x7c: {  	_ =	shalt  }
0x7d: {  	_ =	shalt  }
0x7e: {  	_ =	shalt  }
0x7f: {  	_ =	shalt  }
0x80: {  	_ =	shalt  }
0x81: {  	_ =	shalt  }
0x82: {  	_ =	shalt  }
0x83: {  	_ =	shalt  }
0x84: {  	_ =	shalt  }
0x85: {  	_ =	shalt  }
0x86: {  	_ =	shalt  }
0x87: {  	_ =	shalt  }
.Lfunc_end0:
.L_simem_size_0:
called_computation_lowered:
.L_overlay_start_0:
0x88: {  	s2 =	sld [smem:$0x3FD9]  }
0x89: {  	s3 =	sld [smem:$0x3FFE];
	_ =	sdelay $0x1  }
0x8a: {  	s1 =	srdreg.scid  }
0x8b: {  	s0 =	sand.u32 $0x1, s1  }
0x8c: {  	s17 =	sshll.u32 s0, $0xA;
	s2 =	sadd.s32 s3, s2  }
0x8d: {  	s2 =	sadd.s32 s2, s17  }
0x8e: {  	[smem:$0x3FC5] =	sst s2  }
0x8f: {  	_ = 	snop  }
0x90: {  	s2 =	sld [smem:$0x3FC7];
	(tm) =	ssettm $0x1  }
0x91: {  	s18 =	sld [smem:$0x3FFB];
	_ =	sdelay $0x3  }
0x92: {  	_ =	strace s18  }
0x93: {  	s3 =	sld [smem:$0x3FFC];
	_ =	sdelay $0x3  }
0x94: {  	_ =	strace s3  }
0x95: {  	s3 =	sld [smem:$0x3FFD];
	_ =	sdelay $0x3  }
0x96: {  	_ =	strace s3  }
0x97: {  	_ =	strace $0x8FFFFFFF  }
0x98: {  	s19 =	sld [smem:$0x3FDB];
	_ =	sdelay $0x1  }
0x99: {  	s4 =	simm.s32 $_scs_section_size  }
0x9a: {  	s5 =	simm.s32 $_size__tile_overlayer_lowered;
	s6 =	simm.s32 $_tile_overlayer_lowered  }
0x9b: {  	s22 =	simm.s32 $0x1BFF;
	s21 =	sshll.u32 s6, $0x1;
	s3 =	sadd.s32 s4, s19  }
0x9c: {  	s7 =	simm.s32 $0x0;
	s20 =	sshll.u32 s5, $0x1;
	s5 =	sadd.s32 s21, s3  }
0x9d: {  	[timem:s7], [sflag:s22] =	dma.local [hbm:s5], s20  }
0x9e: {  	_ =	swait.ge [sflag:s22], s20  }
0x9f: {  	s4 =	ssub.s32 $0x0, s20;
	[sflag:s22] =	ssyncset.done $0x0  }
0xa0: {  	[sflag:s22] =	ssyncadd.s32 s4;
	_ =	sdelay $0x1  }
0xa1: {  	s23 =	simm.s32 $0x1B8B  }
0xa2: {  	_ =	swait.ge [sflag:s23], $0x1  }
0xa3: {  	[sflag:s23] =	ssyncset.done $0x0  }
0xa4: {  	s25 =	simm.s32 $0x1B8E;
	s24 =	sld [smem:$0x3FFE];
	[sflag:s23] =	ssyncadd.s32 $0xFFFFFFFF  }
0xa5: {  	s26 =	simm.s32 $execute0_lowered;
	[smem:$0x3FD2] =	sst s25  }
0xa6: {  	s5 =	sshll.u32 s26, $0x1;
	_ =	strace $0x80000046;
	[dreg:$0x1] =	wrdreg $0xFFFFFFFF  }
0xa7: {  	s28 =	simm.s32 $_size_execute0_lowered;
	s3 =	sadd.s32 s3, s5;
	[dreg:$0x0] =	wrdreg $0x0  }
0xa8: {  	s5 =	sshll.u32 s28, $0x1;
	[dreg:$0x2] =	wrdreg s3  }
0xa9: {  	[dreg:$0x3] =	wrdreg s5  }
0xaa: {  	[dreg:$0x4] =	wrdreg $0xC0  }
0xab: {  	_ =	task [dreg:s7], $0x5FFFF  }
0xac: {  	[dreg:$0x1] =	wrdreg $0xFFFFFFFF  }
0xad: {  	[dreg:$0x0] =	wrdreg $0x60  }
0xae: {  	[dreg:$0x2] =	wrdreg s2  }
0xaf: {  	[dreg:$0x3] =	wrdreg s24  }
0xb0: {  	[dreg:$0x4] =	wrdreg $0x9  }
0xb1: {  	_ =	task.clear_ibuf [dreg:s7], $0x5FFFF;
	_ =	strace $0x90000046  }
0xb2: {  	s29 =	simm.s32 $0x9;
	_ =	strace $0x80000048  }
0xb3: {  	_ =	swait.ge [sflag:s29], $0x1  }
0xb4: {  	[sflag:s29] =	ssyncadd.s32 $0xFFFFFFFF  }
0xb5: {  	_ =	strace $0x90000048  }
0xb6: {  	_ =	sfence  }
0xb7: {  	s30 =	sld [smem:$0x0];
	_ =	sdelay $0x2  }
0xb8: {  	s31 =	sshll.u32 s1, $0xD;
	s1 =	sshrl.u32 s1, $0x2  }
0xb9: {  	s3 =	sand.u32 $0x4000, s31;
	s1 =	sadd.s32 s1, s30  }
0xba: {  	s0 =	sor.u32 s3, s0;
	s1 =	sshll.u32 s1, $0x11  }
0xbb: {  	s0 =	sor.u32 s1, s0  }
0xbc: {  	s0 =	sadd.s32 $0x8F2B, s0  }
0xbd: {  	[sflag:s0] =	ssyncadd.remote.s32 $0x1  }
0xbe: {  	_ =	sfence.sel $0xFFFF  }
0xbf: {  	[dreg:$0x0] =	wrdreg $0xFFFFFFFF;
	(pc) =	sbr.abs _section_cstart, $3  }
0xc0: {  	[dreg:$0x1] =	wrdreg $0xFFFFFFFF  }
0xc1: {  	_ =	task.clear_ibuf [dreg:s7], $0x2FFFF;
	_ =	strace $0x9FFFFFFF  }
0xc2: {  	(tm) =	ssettm $0x7FFFFFFF  }
0xc3: {  	_ =	shalt  }
tec
execute0_lowered:
.L_overlay_start_1:
0x0: {  	(tag) =	ssettag $0x1  }
0x1: {  	s0 =	srdreg.scid  }
0x2: {  	s1 =	sshll.u32 s0, $0x4  }
0x3: {  	s0 =	stileid.u32;
	s1 =	sand.u32 $0x10, s1  }
0x4: {  	s1 =	sor.u32 s0, s1  }
0x5: {  	s9 =	rddreg [dreg:$0x1];
	s6 =	simm.s32 $0x1;
	s2 =	smin.u32 s1, $0x8  }
0x6: {  	p0 =	slt.u32 s1, $0x8;
	s3 =	sadd.s32 s1, s2;
	s1 =	simm.s32 $0x40  }
0x7: {  	s7 =	simm.s32 $0x2;
	s3 =	sshll.u32 s3, $0x5;
	s1 =	simm.s32 @!p0 $0x20  }
0x8: {  	s10 =	simm.s32 $0x3;
	s13 =	simm.s32 $0x0;
	s4 =	sadd.s32 s1, s3  }
0x9: {  	s12 =	simm.s32 $0x0;
	s5 =	sadd.s32 $0x200, s9;
	s4 =	smin.u32 s4, $0x500  }
.Ltmp0:
0xa: {  	s2 =	rddreg [dreg:$0x0];
	s8 =	ssub.s32 s4, s3;
	(pc) =	sbr.rel .LBB2_1-.Ltmp0, $4  }
0xb: {  	s1 =	rddreg [dreg:$0x2];
	_ =	strace $0x80000047;
	p0 =	sgt.s32 s8, $0x0  }
0xc: {  	s9 =	sadd.s32 $0x400, s9;
	[sflag:s6] =	ssyncpa.u1 $0x0;
	s8 =	simm.s32 @!p0 $0x0  }
0xd: {  	s11 =	smov.u32 s3;
	[sflag:s7] =	ssyncpa.u1 $0x0;
	s8 =	sshrl.u32 s8, $0x5  }
0xe: {  	vm0 =	vmmov $0xff;
	vm1 =	vcmask $0x3F20;
	[sflag:s10] =	ssyncpa.u1 $0x0;
	p0 =	por $0x0, $0x0;
	s10 =	sadd.s32 $0x1, s8  }
.LBB2_8:
0xf: {  	[hbm:s17] =	stream.linear.scatter [tilespmem:s14], [sflag:$0x3], $0x800, $0x38;
	[tilespmem:$0x4040] =	vst v63  }
.LBB2_9:
0x10: {  	s13 =	sadd.s32 $0x20, s11  }
0x11: {  	s15 =	smov.u32 s3;
	p2 =	slt.s32 s13, s4  }
0x12: {  	s15 =	smov.u32 @p2 s13;
	p2 =	sne.s32 s12, s10  }
.Ltmp1:
0x13: {  	p1 =	slt.u32 s12, $0x2;
	(pc) =	sbr.rel @!p2 .LBB2_10-.Ltmp1, $4  }
0x14: {  	s14 =	simm.s32 @!p1 $0x3  }
0x15: {  	s16 =	sadd.s32 $0x1, s12;
	_ =	swait.ge @!p1 [sflag:s14], $0x2000  }
0x16: {  	p0 =	por !p0, !p0;
	s13 =	smov.u32 s11;
	[sflag:s14] =	ssyncset.done @!p1 $0x0  }
0x17: {  	s12 =	smov.u32 s16;
	s11 =	smov.u32 s15;
	[sflag:s14] =	ssyncadd.s32 @!p1 $0xFFFFE000  }
.LBB2_1:
0x18: {  	p1 =	sge.u32 s12, s8  }
0x19: {  	s14 =	sxor.u32 @!p1 $0xFFFFFFFF, s12  }
0x1a: {  	s31 =	sadd.s32 $0xFFFFFFFF, s12;
	s15 =	sshrl.u32 @!p1 s11, $0x3;
	s14 =	sshll.u32 @!p1 s14, $0x5  }
0x1b: {  	s16 =	sand.u32 @!p1 $0x7, s11;
	s15 =	sadd.s32 @!p1 s5, s15;
	s14 =	sand.u32 @!p1 $0x20, s14  }
0x1c: {  	[tilespmem:s14], [sflag:$0x2] =	stream.linear.gather @!p1 [hbm4b:s15+s16], $0x20, $0x38;
	[tilespmem:$0x4040] =	vst v63  }
0x1d: {  	p1 =	sge.u32 s31, s8  }
.Ltmp2:
0x1e: {  	_ = 	snop;
	(pc) =	sbr.rel @p1 .LBB2_9-.Ltmp2, $1  }
0x1f: {  	_ =	sdelay $0x3  }
0x20: {  	s14 =	simm.s32 $0x1  }
0x21: {  	_ =	swait.ge [sflag:s7], $0x20;
	s16 =	sand.u32 $0x1, s12;
	s17 =	simm.s32 $0x0  }
0x22: {  	p2 =	por $0x1, $0x1;
	s14 =	simm.s32 @!p0 $0x0;
	[sflag:s7] =	ssyncset.done $0x0  }
0x23: {  	s15 =	sshll.u32 s16, $0x5;
	s16 =	sshll.u32 s16, $0xD;
	s14 =	sshll.u32 s14, $0xD  }
0x24: {  	[sflag:s7] =	ssyncadd.s32 $0xFFFFFFE0;
	s16 =	sor.u32 $0x40, s16;
	s14 =	sor.u32 $0x40, s14  }
.LBB2_3:
0x25: {  	s18 =	sshll.u32 s17, $0x4  }
0x26: {  	s18 =	sand.u32 $0x3FFFFFF0, s18  }
0x27: {  	s18 =	sadd.s32 s18, s15  }
0x28: {  	v0 =	vld.msk [tilespmem:s18+$0x0 ss:$0x1], $0xffff;
	_ =	sdelay $0x4  }
0x29: {  	vm2 =	vgt.s32 v0, $0x0  }
0x2a: {  	v0 =	vnsel vm2, $0x0, v0  }
0x2b: {  	v0 =	vmin.u32 v0, $0x3E7  }
0x2c: {  	s31 =	sshll.u32 s17, $0xC;
	v1 =	vshll.u32 v0, $0x5;
	v0 =	vshll.u32 v0, $0x4  }
0x2d: {  	p1 =	por p2, p2;
	s17 =	sand.u32 $0x3FFFF000, s31;
	v1 =	vand.u32 $0x7F00, v1;
	v0 =	vand.u32 $0x70, v0  }
0x2e: {  	p2 =	por $0x1, $0x1;
	s17 =	sadd.s32 s17, s16;
	s18 =	simm.s32 $0x0;
	v0 =	vor.u32 v0, v1  }
.LBB2_4:
0x2f: {  	_ =	sdelay $0x1  }
0x30: {  	s18 =	sshra.s32 s18, $0x2;
	p3 =	por p2, p2  }
.Ltmp3:
0x31: {  	s18 =	sadd.s32 s18, s17;
	(pc) =	sbr.rel @p3 .LBB2_4-.Ltmp3, $4  }
0x32: {  	[tilespmem:s18], [sflag:$0x1] =	stream.indirect_vreg.gather [hbm:s2], $0x80, v0, vm0, $0x38;
	[tilespmem:$0x4040] =	vst v63  }
0x33: {  	s18 =	sadd.s32 $0x800, s18  }
0x34: {  	[tilespmem:s18], [sflag:$0x1] =	stream.indirect_vreg.gather [hbm:s2], $0x80, v0, vm1, $0x38;
	[tilespmem:$0x4040] =	vst v63  }
0x35: {  	p2 =	por $0x0, $0x0;
	v0 =	vadd.s32 $0x80, v0;
	s18 =	simm.s32 $0x1000  }
.Ltmp4:
0x36: {  	(pc) =	sbr.rel @p1 .LBB2_3-.Ltmp4, $2  }
0x37: {  	_ =	sdelay $0x2  }
0x38: {  	s17 =	simm.s32 $0x1;
	p2 =	por $0x0, $0x0  }
0x39: {  	s15 =	sshll.u32 s13, $0x5  }
0x3a: {  	s31 =	sshll.u32 s13, $0x4;
	s15 =	sand.u32 $0xFFFFFF00, s15  }
0x3b: {  	_ =	swait.ge [sflag:s6], $0x2000;
	s13 =	sand.u32 $0x70, s31;
	s15 =	sadd.s32 s15, s9  }
0x3c: {  	s16 =	sadd.s32 $0x800, s14;
	[sflag:s6] =	ssyncset.done $0x0;
	s13 =	sadd.s32 s13, s15  }
0x3d: {  	[sflag:s6] =	ssyncadd.s32 $0xFFFFE000;
	s15 =	simm.s32 $0x100;
	s17 =	sadd.s32 $0x0, s13  }
.LBB2_7:
0x3e: {  	[hbm:s17] =	stream.linear.scatter [tilespmem:s14], [sflag:$0x3], $0x800, $0x38;
	[tilespmem:$0x4040] =	vst v63  }
0x3f: {  	s17 =	smov.u32 s15;
	s14 =	smov.u32 s16;
	p1 =	sne.s32 s15, $0x300  }
.Ltmp5:
0x40: {  	s15 =	sadd.s32 $0x100, s15;
	(pc) =	sbr.rel @p1 .LBB2_7-.Ltmp5, $2  }
0x41: {  	_ =	sdelay $0x2  }
0x42: {  	s16 =	sadd.s32 $0x800, s16;
	s17 =	sadd.s32 s17, s13  }
.Ltmp6:
0x43: {  	_ = 	snop;
	(pc) =	sbr.rel .LBB2_8-.Ltmp6, $1  }
0x44: {  	_ =	sdelay $0x3  }
.LBB2_10:
0x45: {  	_ =	sfence.sel $0x180000  }
0x46: {  	s2 =	simm.s32 $0x2;
	[bflag:$0x0] =	sbarrier.arrive $0xFFFF  }
0x47: {  	s30 =	simm.s32 $0x3;
	[sflag:s2] =	ssyncpa.u1 $0x1  }
0x48: {  	s31 =	simm.s32 $0x1;
	[sflag:s30] =	ssyncpa.u1 $0x1  }
0x49: {  	[sflag:s31] =	ssyncpa.u1 $0x1  }
0x4a: {  	p0 =	sne.s32 s0, $0x0;
	_ =	strace $0x90000047  }
0x4b: {  	s0 =	sadd.s32 @!p0 $0x100000, s1;
	[bflag:$0x2] =	sbarrier.arrive $0xFFFF  }
0x4c: {  	[sflag:s0] =	ssyncadd.tile.s32 @!p0 $0x1;
	_ =	shalt  }
.Lfunc_end2:
_tile_overlayer_lowered:
.L_overlay_start_2:
0x4d: {  	(tag) =	ssettag $0x2  }
0x4e: {  	s0 =	rddreg [dreg:$0x0];
	s2 =	stileid.u32  }
0x4f: {  	s1 =	rddreg [dreg:$0x1];
	p0 =	sne.s32 s2, $0x0  }
0x50: {  	s3 =	rddreg [dreg:$0x2];
	[bflag:$0x3] =	sbarrier.arrive $0xFFFF;
	s2 =	simm.s32 @!p0 $0x1C01  }
0x51: {  	[timem:s3], [sflag:s2] =	dma.local @!p0 [hbm:s0], s1  }
0x52: {  	s0 =	simm.s32 @!p0 $0x1  }
0x53: {  	_ =	swait.ge @!p0 [sflag:s0], s1  }
0x54: {  	s1 =	ssub.s32 @!p0 $0x0, s1;
	[sflag:s0] =	ssyncset.done @!p0 $0x0  }
0x55: {  	[sflag:s0] =	ssyncadd.s32 @!p0 s1  }
0x56: {  	[bflag:$0x3] =	sbarrier.arrive $0xFFFF  }
0x57: {  	_ =	shalt  }

</sc_bundles>
